<compile_context>
chip_gen: v7x
topology: tpu7x:2x2x1
jax: 0.10.2.dev20260603
libtpu: 0.0.44.dev20260713+nightly
codegen_flags: <defaults>
</compile_context>

<pallas_src>
import functools

import jax
import jax.numpy as jnp
from jax import lax
from jax.experimental import pallas as pl
from jax.experimental.pallas import tpu as pltpu
from jax.experimental.pallas import tpu_sc as plsc

_NC = 2
_NS = 16
_NW = _NC * _NS
_CHUNK = 128


@functools.lru_cache(maxsize=None)
def _make_gather(total, d, b, s):
    n = b * s
    assert n % (_NW * 2 * _CHUNK) == 0
    per_w = n // _NW
    npair = per_w // (2 * _CHUNK)
    mesh = plsc.VectorSubcoreMesh(core_axis_name="c", subcore_axis_name="s")

    @functools.partial(
        pl.kernel,
        mesh=mesh,
        out_type=jax.ShapeDtypeStruct((n, d), jnp.float32),
        scratch_types=[
            pltpu.VMEM((per_w,), jnp.int32),
            pltpu.VMEM((_CHUNK, d), jnp.float32),
            pltpu.VMEM((_CHUNK, d), jnp.float32),
            pltpu.SemaphoreType.DMA,
            pltpu.SemaphoreType.DMA,
        ],
    )
    def k(idx_hbm, table_hbm, out_hbm, idx_v, buf0, buf1, sem0, sem1):
        wid = lax.axis_index("s") * _NC + lax.axis_index("c")
        pltpu.async_copy(idx_hbm.at[wid, pl.ds(0, _CHUNK)],
                         idx_v.at[pl.ds(0, _CHUNK)], sem0).wait()
        base = wid * per_w

        def gather(off, buf, sem):
            pltpu.async_copy(table_hbm.at[idx_v.at[pl.ds(off, _CHUNK)]],
                             buf, sem)

        def wait_gather(buf, sem):
            pltpu.make_async_copy(table_hbm.at[idx_v.at[pl.ds(0, _CHUNK)]],
                                  buf, sem).wait()

        def store(buf, off):
            pltpu.sync_copy(
                buf, out_hbm.at[pl.ds(pl.multiple_of(base + off, _CHUNK),
                                      _CHUNK)])

        gather(0, buf0, sem0)
        pltpu.sync_copy(idx_hbm.at[wid, pl.ds(_CHUNK, per_w - _CHUNK)],
                        idx_v.at[pl.ds(_CHUNK, per_w - _CHUNK)])

        def body(i, _):
            c0 = pl.multiple_of(2 * _CHUNK * i, 2 * _CHUNK)
            gather(c0 + _CHUNK, buf1, sem1)
            wait_gather(buf0, sem0)
            store(buf0, c0)

            @pl.when(i < npair - 1)
            def _():
                gather(c0 + 2 * _CHUNK, buf0, sem0)

            wait_gather(buf1, sem1)
            store(buf1, c0 + _CHUNK)
            return _

        lax.fori_loop(0, npair, body, None)

    return k


def kernel(x, table):
    b, s = x.shape
    total, d = table.shape
    out = _make_gather(total, d, b, s)(x.reshape(_NW, -1), table)
    return out.reshape(b, s, d)

# --- scband reference (transcript-rebuilt; emitter-appended) ---
"""Pipeline reference for scband-merged-codebook-13254269075557 (READ-ONLY COPY).

The authoritative reference and input builder live on the scoring server;
editing this copy changes nothing except your own understanding.
"""

import jax, jax.numpy as jnp
import numpy as np

N_LEVELS = 4
NUM_EMB = 1024
EMBED_DIM = 256
NUM_SPECIAL = 16
PAD_TOKEN_ID = 0
TOTAL = N_LEVELS * NUM_EMB + NUM_SPECIAL  # 4112
B, S = 32, 1024


def setup_inputs(seed: int = 0) -> dict:
    key = jax.random.key(seed)
    k1, k2, k3 = jax.random.split(key, 3)
    # codebooks passed to __init__: [n_levels, num_embeddings, embed_dim]
    codebooks = jax.random.normal(k1, (N_LEVELS, NUM_EMB, EMBED_DIM), dtype=jnp.float32)
    # merged embedding table: uniform(-1/total, 1/total), then copy codebooks level by level
    table = jax.random.uniform(
        k2, (TOTAL, EMBED_DIM), dtype=jnp.float32,
        minval=-1.0 / TOTAL, maxval=1.0 / TOTAL,
    )
    table = table.at[: N_LEVELS * NUM_EMB].set(codebooks.reshape(-1, EMBED_DIM))
    x = jax.random.randint(k3, (B, S), 0, TOTAL)
    return {"x": x, "table": table}


def reference(x, table):
    # nn.Embedding forward == row gather
    return jnp.take(table, x, axis=0)

if __name__ == "__main__":
    import jax
    _d = setup_inputs()
    print(jax.jit(kernel)(*tuple(_d.values())))

</pallas_src>

<mosaic_0001>
#map = affine_map<(d0, d1) -> (0, 0)>
module attributes {stable_mosaic.version = 14 : i64} {
  func.func @k(%arg0: i32, %arg1: i32, %arg2: memref<32x1024xi32, #tpu.memory_space<hbm>>, %arg3: memref<4112x256xf32, #tpu.memory_space<hbm>>, %arg4: memref<32768x256xf32, #tpu.memory_space<hbm>>, %arg5: memref<1024xi32, #tpu.memory_space<vmem>>, %arg6: memref<128x256xf32, #tpu.memory_space<vmem>>, %arg7: memref<128x256xf32, #tpu.memory_space<vmem>>, %arg8: memref<!tpu.dma_semaphore, #tpu.memory_space<semaphore_mem>>, %arg9: memref<!tpu.dma_semaphore, #tpu.memory_space<semaphore_mem>>) attributes {dimension_semantics = [#tpu.dimension_semantics<core_parallel>, #tpu.dimension_semantics<subcore_parallel>], iteration_bounds = array<i64: 2, 16>, scalar_prefetch = 0 : i64, scratch_operands = 5 : i64, tpu.core_type = #tpu.core_type<sc_vector_subcore>, window_params = [{transform_indices = #map}, {transform_indices = #map}, {transform_indices = #map}]} {
    %mul3A = arith.constant 2 : i32
    %mul3A_0 = arith.muli %arg1, %mul3A : i32
    %add3A = arith.addi %mul3A_0, %arg0 : i32
    %dma_start3A = arith.constant 0 : i32
    %dma_start3A_1 = tpu.memref_slice %arg5[%dma_start3A] : memref<1024xi32, #tpu.memory_space<vmem>> -> memref<128xi32, #tpu.memory_space<vmem>>
    %dma_start3A_2 = arith.constant 0 : i32
    %dma_start3A_3 = tpu.memref_slice %arg2[%add3A, %dma_start3A_2] : memref<32x1024xi32, #tpu.memory_space<hbm>> -> memref<1x128xi32, #tpu.memory_space<hbm>>
    %dma_start3A_4 = tpu.memref_squeeze %dma_start3A_3 : memref<1x128xi32, #tpu.memory_space<hbm>> -> memref<128xi32, #tpu.memory_space<hbm>>
    %dma_start3A_5 = arith.constant 0 : i32
    %dma_start3A_6 = tpu.memref_slice %arg5[%dma_start3A_5] : memref<1024xi32, #tpu.memory_space<vmem>> -> memref<128xi32, #tpu.memory_space<vmem>>
    %dma_start3A_7 = arith.constant 0 : i32
    %dma_start3A_8 = tpu.memref_slice %arg2[%add3A, %dma_start3A_7] : memref<32x1024xi32, #tpu.memory_space<hbm>> -> memref<1x128xi32, #tpu.memory_space<hbm>>
    %dma_start3A_9 = tpu.memref_squeeze %dma_start3A_8 : memref<1x128xi32, #tpu.memory_space<hbm>> -> memref<128xi32, #tpu.memory_space<hbm>>
    tpu.enqueue_dma source(%dma_start3A_9 : memref<128xi32, #tpu.memory_space<hbm>>) target(%dma_start3A_6 : memref<128xi32, #tpu.memory_space<vmem>>) target_semaphore(%arg8 : memref<!tpu.dma_semaphore, #tpu.memory_space<semaphore_mem>>)
    %dma_wait3A = arith.constant 0 : i32
    %dma_wait3A_10 = tpu.memref_slice %arg5[%dma_wait3A] : memref<1024xi32, #tpu.memory_space<vmem>> -> memref<128xi32, #tpu.memory_space<vmem>>
    %dma_wait3A_11 = arith.constant 0 : i32
    %dma_wait3A_12 = tpu.memref_slice %arg2[%add3A, %dma_wait3A_11] : memref<32x1024xi32, #tpu.memory_space<hbm>> -> memref<1x128xi32, #tpu.memory_space<hbm>>
    %dma_wait3A_13 = tpu.memref_squeeze %dma_wait3A_12 : memref<1x128xi32, #tpu.memory_space<hbm>> -> memref<128xi32, #tpu.memory_space<hbm>>
    %dma_wait3A_14 = arith.constant 0 : i32
    %dma_wait3A_15 = tpu.memref_slice %arg5[%dma_wait3A_14] : memref<1024xi32, #tpu.memory_space<vmem>> -> memref<128xi32, #tpu.memory_space<vmem>>
    %dma_wait3A_16 = arith.constant 0 : i32
    %dma_wait3A_17 = tpu.memref_slice %arg2[%add3A, %dma_wait3A_16] : memref<32x1024xi32, #tpu.memory_space<hbm>> -> memref<1x128xi32, #tpu.memory_space<hbm>>
    %dma_wait3A_18 = tpu.memref_squeeze %dma_wait3A_17 : memref<1x128xi32, #tpu.memory_space<hbm>> -> memref<128xi32, #tpu.memory_space<hbm>>
    tpu.wait_dma2 semaphore(%arg8 : memref<!tpu.dma_semaphore, #tpu.memory_space<semaphore_mem>>) src(%dma_wait3A_18 : memref<128xi32, #tpu.memory_space<hbm>>) dst(%dma_wait3A_15 : memref<128xi32, #tpu.memory_space<vmem>>)
    %mul3A_19 = arith.constant 1024 : i32
    %mul3A_20 = arith.muli %add3A, %mul3A_19 : i32
    %dma_start3A_21 = arith.constant 0 : i32
    %dma_start3A_22 = tpu.memref_slice %arg5[%dma_start3A_21] : memref<1024xi32, #tpu.memory_space<vmem>> -> memref<128xi32, #tpu.memory_space<vmem>>
    %dma_start3A_23 = arith.constant 0 : i32
    %dma_start3A_24 = arith.constant 0 : i32
    %dma_start3A_25 = tpu.memref_slice %arg3[%dma_start3A_23, %dma_start3A_24] : memref<4112x256xf32, #tpu.memory_space<hbm>> -> memref<4112x256xf32, #tpu.memory_space<hbm>>
    tpu.enqueue_indirect_dma source(%dma_start3A_25 : memref<4112x256xf32, #tpu.memory_space<hbm>>) target(%arg6 : memref<128x256xf32, #tpu.memory_space<vmem>>) offsets(%dma_start3A_22 : memref<128xi32, #tpu.memory_space<vmem>>) semaphore(%arg8 : memref<!tpu.dma_semaphore, #tpu.memory_space<semaphore_mem>>)
    "tpu.region"() ({
      %run_scoped3A = tpu.sem_alloc : memref<!tpu.dma_semaphore, #tpu.memory_space<semaphore_mem>>
      %dma_start3A_30 = arith.constant 128 : i32
      %dma_start3A_31 = tpu.memref_slice %arg5[%dma_start3A_30] : memref<1024xi32, #tpu.memory_space<vmem>> -> memref<896xi32, #tpu.memory_space<vmem>>
      %dma_start3A_32 = arith.constant 128 : i32
      %dma_start3A_33 = tpu.memref_slice %arg2[%add3A, %dma_start3A_32] : memref<32x1024xi32, #tpu.memory_space<hbm>> -> memref<1x896xi32, #tpu.memory_space<hbm>>
      %dma_start3A_34 = tpu.memref_squeeze %dma_start3A_33 : memref<1x896xi32, #tpu.memory_space<hbm>> -> memref<896xi32, #tpu.memory_space<hbm>>
      %dma_start3A_35 = arith.constant 128 : i32
      %dma_start3A_36 = tpu.memref_slice %arg5[%dma_start3A_35] : memref<1024xi32, #tpu.memory_space<vmem>> -> memref<896xi32, #tpu.memory_space<vmem>>
      %dma_start3A_37 = arith.constant 128 : i32
      %dma_start3A_38 = tpu.memref_slice %arg2[%add3A, %dma_start3A_37] : memref<32x1024xi32, #tpu.memory_space<hbm>> -> memref<1x896xi32, #tpu.memory_space<hbm>>
      %dma_start3A_39 = tpu.memref_squeeze %dma_start3A_38 : memref<1x896xi32, #tpu.memory_space<hbm>> -> memref<896xi32, #tpu.memory_space<hbm>>
      tpu.enqueue_dma source(%dma_start3A_39 : memref<896xi32, #tpu.memory_space<hbm>>) target(%dma_start3A_36 : memref<896xi32, #tpu.memory_space<vmem>>) target_semaphore(%run_scoped3A : memref<!tpu.dma_semaphore, #tpu.memory_space<semaphore_mem>>)
      %dma_wait3A_40 = arith.constant 128 : i32
      %dma_wait3A_41 = tpu.memref_slice %arg5[%dma_wait3A_40] : memref<1024xi32, #tpu.memory_space<vmem>> -> memref<896xi32, #tpu.memory_space<vmem>>
      %dma_wait3A_42 = arith.constant 128 : i32
      %dma_wait3A_43 = tpu.memref_slice %arg2[%add3A, %dma_wait3A_42] : memref<32x1024xi32, #tpu.memory_space<hbm>> -> memref<1x896xi32, #tpu.memory_space<hbm>>
      %dma_wait3A_44 = tpu.memref_squeeze %dma_wait3A_43 : memref<1x896xi32, #tpu.memory_space<hbm>> -> memref<896xi32, #tpu.memory_space<hbm>>
      %dma_wait3A_45 = arith.constant 128 : i32
      %dma_wait3A_46 = tpu.memref_slice %arg5[%dma_wait3A_45] : memref<1024xi32, #tpu.memory_space<vmem>> -> memref<896xi32, #tpu.memory_space<vmem>>
      %dma_wait3A_47 = arith.constant 128 : i32
      %dma_wait3A_48 = tpu.memref_slice %arg2[%add3A, %dma_wait3A_47] : memref<32x1024xi32, #tpu.memory_space<hbm>> -> memref<1x896xi32, #tpu.memory_space<hbm>>
      %dma_wait3A_49 = tpu.memref_squeeze %dma_wait3A_48 : memref<1x896xi32, #tpu.memory_space<hbm>> -> memref<896xi32, #tpu.memory_space<hbm>>
      tpu.wait_dma2 semaphore(%run_scoped3A : memref<!tpu.dma_semaphore, #tpu.memory_space<semaphore_mem>>) src(%dma_wait3A_49 : memref<896xi32, #tpu.memory_space<hbm>>) dst(%dma_wait3A_46 : memref<896xi32, #tpu.memory_space<vmem>>)
      tpu.yield
    }) : () -> ()
    %scan3A = arith.constant 0 : i32
    %scan3A_26 = arith.constant 4 : i32
    %scan3A_27 = arith.addi %scan3A, %scan3A_26 : i32
    %scan3A_28 = arith.constant 1 : i32
    scf.for %scan3A_30 = %scan3A to %scan3A_27 step %scan3A_28  : i32 {
      %mul3A_31 = arith.constant 256 : i32
      %mul3A_32 = arith.muli %mul3A_31, %scan3A_30 : i32
      %multiple_of3A = tpu.assume_multiple %mul3A_32, 256 : i32
      %add3A_33 = arith.constant 128 : i32
      %add3A_34 = arith.addi %multiple_of3A, %add3A_33 : i32
      %dma_start3A_35 = tpu.memref_slice %arg5[%add3A_34] : memref<1024xi32, #tpu.memory_space<vmem>> -> memref<128xi32, #tpu.memory_space<vmem>>
      %dma_start3A_36 = arith.constant 0 : i32
      %dma_start3A_37 = arith.constant 0 : i32
      %dma_start3A_38 = tpu.memref_slice %arg3[%dma_start3A_36, %dma_start3A_37] : memref<4112x256xf32, #tpu.memory_space<hbm>> -> memref<4112x256xf32, #tpu.memory_space<hbm>>
      tpu.enqueue_indirect_dma source(%dma_start3A_38 : memref<4112x256xf32, #tpu.memory_space<hbm>>) target(%arg7 : memref<128x256xf32, #tpu.memory_space<vmem>>) offsets(%dma_start3A_35 : memref<128xi32, #tpu.memory_space<vmem>>) semaphore(%arg9 : memref<!tpu.dma_semaphore, #tpu.memory_space<semaphore_mem>>)
      %dma_wait3A_39 = arith.constant 0 : i32
      %dma_wait3A_40 = tpu.memref_slice %arg5[%dma_wait3A_39] : memref<1024xi32, #tpu.memory_space<vmem>> -> memref<128xi32, #tpu.memory_space<vmem>>
      %dma_wait3A_41 = arith.constant 0 : i32
      %dma_wait3A_42 = arith.constant 0 : i32
      %dma_wait3A_43 = tpu.memref_slice %arg3[%dma_wait3A_41, %dma_wait3A_42] : memref<4112x256xf32, #tpu.memory_space<hbm>> -> memref<4112x256xf32, #tpu.memory_space<hbm>>
      tpu.wait_indirect_dma semaphore(%arg8 : memref<!tpu.dma_semaphore, #tpu.memory_space<semaphore_mem>>) src(%dma_wait3A_43 : memref<4112x256xf32, #tpu.memory_space<hbm>>) dst(%arg6 : memref<128x256xf32, #tpu.memory_space<vmem>>)
      %add3A_44 = arith.addi %mul3A_20, %multiple_of3A : i32
      %multiple_of3A_45 = tpu.assume_multiple %add3A_44, 128 : i32
      "tpu.region"() ({
        %run_scoped3A = tpu.sem_alloc : memref<!tpu.dma_semaphore, #tpu.memory_space<semaphore_mem>>
        %dma_start3A_57 = arith.constant 0 : i32
        %dma_start3A_58 = tpu.memref_slice %arg4[%multiple_of3A_45, %dma_start3A_57] : memref<32768x256xf32, #tpu.memory_space<hbm>> -> memref<128x256xf32, #tpu.memory_space<hbm>>
        %dma_start3A_59 = arith.constant 0 : i32
        %dma_start3A_60 = tpu.memref_slice %arg4[%multiple_of3A_45, %dma_start3A_59] : memref<32768x256xf32, #tpu.memory_space<hbm>> -> memref<128x256xf32, #tpu.memory_space<hbm>>
        tpu.enqueue_dma source(%arg6 : memref<128x256xf32, #tpu.memory_space<vmem>>) target(%dma_start3A_60 : memref<128x256xf32, #tpu.memory_space<hbm>>) target_semaphore(%run_scoped3A : memref<!tpu.dma_semaphore, #tpu.memory_space<semaphore_mem>>)
        %dma_wait3A_61 = arith.constant 0 : i32
        %dma_wait3A_62 = tpu.memref_slice %arg4[%multiple_of3A_45, %dma_wait3A_61] : memref<32768x256xf32, #tpu.memory_space<hbm>> -> memref<128x256xf32, #tpu.memory_space<hbm>>
        %dma_wait3A_63 = arith.constant 0 : i32
        %dma_wait3A_64 = tpu.memref_slice %arg4[%multiple_of3A_45, %dma_wait3A_63] : memref<32768x256xf32, #tpu.memory_space<hbm>> -> memref<128x256xf32, #tpu.memory_space<hbm>>
        tpu.wait_dma2 semaphore(%run_scoped3A : memref<!tpu.dma_semaphore, #tpu.memory_space<semaphore_mem>>) src(%arg6 : memref<128x256xf32, #tpu.memory_space<vmem>>) dst(%dma_wait3A_64 : memref<128x256xf32, #tpu.memory_space<hbm>>)
        tpu.yield
      }) : () -> ()
      %lt3A = arith.constant 3 : i32
      %lt3A_46 = arith.cmpi slt, %scan3A_30, %lt3A : i32
      %convert_element_type3A = arith.extui %lt3A_46 : i1 to i32
      %cond3A = arith.constant 0 : i32
      %cond3A_47 = arith.cmpi ne, %convert_element_type3A, %cond3A : i32
      scf.if %cond3A_47 {
        %add3A_57 = arith.constant 256 : i32
        %add3A_58 = arith.addi %multiple_of3A, %add3A_57 : i32
        %dma_start3A_59 = tpu.memref_slice %arg5[%add3A_58] : memref<1024xi32, #tpu.memory_space<vmem>> -> memref<128xi32, #tpu.memory_space<vmem>>
        %dma_start3A_60 = arith.constant 0 : i32
        %dma_start3A_61 = arith.constant 0 : i32
        %dma_start3A_62 = tpu.memref_slice %arg3[%dma_start3A_60, %dma_start3A_61] : memref<4112x256xf32, #tpu.memory_space<hbm>> -> memref<4112x256xf32, #tpu.memory_space<hbm>>
        tpu.enqueue_indirect_dma source(%dma_start3A_62 : memref<4112x256xf32, #tpu.memory_space<hbm>>) target(%arg6 : memref<128x256xf32, #tpu.memory_space<vmem>>) offsets(%dma_start3A_59 : memref<128xi32, #tpu.memory_space<vmem>>) semaphore(%arg8 : memref<!tpu.dma_semaphore, #tpu.memory_space<semaphore_mem>>)
      } else {
      }
      %dma_wait3A_48 = arith.constant 0 : i32
      %dma_wait3A_49 = tpu.memref_slice %arg5[%dma_wait3A_48] : memref<1024xi32, #tpu.memory_space<vmem>> -> memref<128xi32, #tpu.memory_space<vmem>>
      %dma_wait3A_50 = arith.constant 0 : i32
      %dma_wait3A_51 = arith.constant 0 : i32
      %dma_wait3A_52 = tpu.memref_slice %arg3[%dma_wait3A_50, %dma_wait3A_51] : memref<4112x256xf32, #tpu.memory_space<hbm>> -> memref<4112x256xf32, #tpu.memory_space<hbm>>
      tpu.wait_indirect_dma semaphore(%arg9 : memref<!tpu.dma_semaphore, #tpu.memory_space<semaphore_mem>>) src(%dma_wait3A_52 : memref<4112x256xf32, #tpu.memory_space<hbm>>) dst(%arg7 : memref<128x256xf32, #tpu.memory_space<vmem>>)
      %add3A_53 = arith.constant 128 : i32
      %add3A_54 = arith.addi %multiple_of3A, %add3A_53 : i32
      %add3A_55 = arith.addi %mul3A_20, %add3A_54 : i32
      %multiple_of3A_56 = tpu.assume_multiple %add3A_55, 128 : i32
      "tpu.region"() ({
        %run_scoped3A = tpu.sem_alloc : memref<!tpu.dma_semaphore, #tpu.memory_space<semaphore_mem>>
        %dma_start3A_57 = arith.constant 0 : i32
        %dma_start3A_58 = tpu.memref_slice %arg4[%multiple_of3A_56, %dma_start3A_57] : memref<32768x256xf32, #tpu.memory_space<hbm>> -> memref<128x256xf32, #tpu.memory_space<hbm>>
        %dma_start3A_59 = arith.constant 0 : i32
        %dma_start3A_60 = tpu.memref_slice %arg4[%multiple_of3A_56, %dma_start3A_59] : memref<32768x256xf32, #tpu.memory_space<hbm>> -> memref<128x256xf32, #tpu.memory_space<hbm>>
        tpu.enqueue_dma source(%arg7 : memref<128x256xf32, #tpu.memory_space<vmem>>) target(%dma_start3A_60 : memref<128x256xf32, #tpu.memory_space<hbm>>) target_semaphore(%run_scoped3A : memref<!tpu.dma_semaphore, #tpu.memory_space<semaphore_mem>>)
        %dma_wait3A_61 = arith.constant 0 : i32
        %dma_wait3A_62 = tpu.memref_slice %arg4[%multiple_of3A_56, %dma_wait3A_61] : memref<32768x256xf32, #tpu.memory_space<hbm>> -> memref<128x256xf32, #tpu.memory_space<hbm>>
        %dma_wait3A_63 = arith.constant 0 : i32
        %dma_wait3A_64 = tpu.memref_slice %arg4[%multiple_of3A_56, %dma_wait3A_63] : memref<32768x256xf32, #tpu.memory_space<hbm>> -> memref<128x256xf32, #tpu.memory_space<hbm>>
        tpu.wait_dma2 semaphore(%run_scoped3A : memref<!tpu.dma_semaphore, #tpu.memory_space<semaphore_mem>>) src(%arg7 : memref<128x256xf32, #tpu.memory_space<vmem>>) dst(%dma_wait3A_64 : memref<128x256xf32, #tpu.memory_space<hbm>>)
        tpu.yield
      }) : () -> ()
    }
    %scan3A_29 = arith.constant 4 : i32
    return
  }
}

</mosaic_0001>

<sc_bundles>
// kernel: kernel.3.cloned.1.call-start
scs
__scs_entry_jumppad:
0x0: {  	(pc) =	sbr.rel $0x88, $3  }
0x1: {  	(tag) =	ssettag $0x0;
	lr =	simm.s32 $0x1  }
0x2: {  	[smem:$0x3F9F] =	sst lr;
	_ =	strace $0xD0000000  }
0x3: {  	_ = 	snop  }
0x4: {  	_ = 	snop  }
0x5: {  	_ = 	snop  }
0x6: {  	_ = 	snop  }
0x7: {  	_ = 	snop  }
__scs_overlays_trampoline_lowered:
0x8: {  	[smem:$0x3FAE] =	sst s0  }
0x9: {  	[smem:$0x3FAF] =	sst s1  }
0xa: {  	[smem:$0x3FB0] =	sst s2  }
0xb: {  	[smem:$0x3FB1] =	sst s3  }
0xc: {  	[smem:$0x3FB2] =	sst s4  }
0xd: {  	[smem:$0x3FB3] =	sst s5  }
0xe: {  	[smem:$0x3FB4] =	sst s6  }
0xf: {  	[smem:$0x3FB5] =	sst s7  }
0x10: {  	[smem:$0x3FB6] =	sst s8  }
0x11: {  	[smem:$0x3FB7] =	sst s9;
	s0 =	simm.s32 @!p0 $0x0  }
0x12: {  	s1 =	sld [smem:$0x3F9D];
	s0 =	simm.s32 @p0 $0x1  }
0x13: {  	[smem:$0x3FB8] =	sst s0;
	s0 =	simm.s32 @!p1 $0x0  }
0x14: {  	s2 =	sld [smem:$0x3F9C];
	s0 =	simm.s32 @p1 $0x1  }
0x15: {  	[smem:$0x3FB9] =	sst s0;
	s0 =	simm.s32 @!p2 $0x0  }
0x16: {  	s3 =	sld [smem:$0x3FDB];
	s0 =	simm.s32 @p2 $0x1  }
0x17: {  	s4 =	simm.s32 $0x1BF5;
	[smem:$0x3FBB] =	sst s0  }
0x18: {  	s0 =	sld [smem:$0x3F9E];
	_ =	swait.ge [sflag:s4], $0x0  }
0x19: {  	s7 =	sld [smem:$0x3F9F]  }
0x1a: {  	s8 =	sadd.s32 $0xFFFFE003, lr  }
0x1b: {  	s9 =	sadd.s32 $0xFFFFFEF7, lr;
	s5 =	simm.s32 $0xFFFFFFFF;
	p2 =	slt.u32 s8, $0xFFFFF086  }
0x1c: {  	p1 =	slt.u32 s9, $0xF7A;
	s5 =	simm.s32 @!p2 $0x0  }
0x1d: {  	s5 =	simm.s32 @p1 $0x1;
	p0 =	seq.s32 s7, s2  }
0x1e: {  	s7 =	smul.u32 @!p0 $0xF7A, s2;
	p2 =	seq.s32 @!p0 s5, $0x0  }
0x1f: {  	s9 =	smul.u32 $0xF7A, s1;
	s8 =	simm.s32 @!p0 $0x1BF5;
	p2 =	por !p2, p0  }
0x20: {  	[sflag:s8] =	ssyncset.s32 @!p0 $0xFFFFF086;
	s6 =	sadd.s32 @!p0 s3, s7;
	s7 =	simm.s32 @!p0 $0x108  }
0x21: {  	s3 =	sadd.s32 s3, s9;
	s6 =	sadd.s32 @!p0 $0x88, s6;
	s7 =	simm.s32 @p2 $0x1082  }
0x22: {  	[simem:s7], [sflag:s8] =	dma.local @!p0 [hbm:s6], $0xF7A  }
0x23: {  	s9 =	sor.u32 $0xD0000000, s2;
	s6 =	simm.s32 $0x108;
	_ =	swait.ge @!p0 [sflag:s8], $0x0  }
0x24: {  	s3 =	sadd.s32 $0x88, s3;
	s6 =	simm.s32 @!p1 $0x1082;
	[sflag:s4] =	ssyncset.s32 $0xFFFFF086  }
0x25: {  	[simem:s6], [sflag:s4] =	dma.local [hbm:s3], $0xF7A  }
0x26: {  	[smem:$0x3F9F] =	sst s1;
	(tag) =	ssettag s2;
	_ =	strace s9  }
0x27: {  	s1 =	sld [smem:$0x3FAF]  }
0x28: {  	s2 =	sld [smem:$0x3FB0]  }
0x29: {  	s4 =	sld [smem:$0x3FB2]  }
0x2a: {  	p0 =	seq.s32 s5, $0x0;
	s5 =	sld [smem:$0x3FB3]  }
0x2b: {  	s6 =	sld [smem:$0x3FB4]  }
0x2c: {  	s7 =	sld [smem:$0x3FB5]  }
0x2d: {  	s3 =	simm.s32 $0x108;
	s8 =	sld [smem:$0x3FB6]  }
0x2e: {  	s3 =	simm.s32 @!p0 $0x1082;
	s9 =	sld [smem:$0x3FB7]  }
0x2f: {  	lr =	sadd.s32 s0, s3;
	s0 =	sld [smem:$0x3FAE]  }
0x30: {  	s3 =	sld [smem:$0x3FB1]  }
0x31: {  	[smem:$0x3FBA] =	sst s10  }
0x32: {  	s10 =	sld [smem:$0x3FB8];
	_ =	sdelay $0x3  }
0x33: {  	p0 =	seq.s32 s10, $0x1;
	s10 =	sld [smem:$0x3FBA];
	_ =	sdelay $0x3  }
0x34: {  	[smem:$0x3FBA] =	sst s10  }
0x35: {  	s10 =	sld [smem:$0x3FB9];
	_ =	sdelay $0x3  }
0x36: {  	p1 =	seq.s32 s10, $0x1;
	s10 =	sld [smem:$0x3FBA];
	_ =	sdelay $0x3  }
0x37: {  	[smem:$0x3FBA] =	sst s10  }
0x38: {  	s10 =	sld [smem:$0x3FBB]  }
0x39: {  	_ = 	snop;
	(pc) =	sbr.ind lr, $3  }
0x3a: {  	_ = 	snop  }
0x3b: {  	_ = 	snop  }
0x3c: {  	p2 =	seq.s32 s10, $0x1;
	s10 =	sld [smem:$0x3FBA]  }
0x3d: {  	_ =	shalt  }
0x3e: {  	_ =	shalt  }
0x3f: {  	_ =	shalt  }
0x40: {  	_ =	shalt  }
0x41: {  	_ =	shalt  }
0x42: {  	_ =	shalt  }
0x43: {  	_ =	shalt  }
0x44: {  	_ =	shalt  }
0x45: {  	_ =	shalt  }
0x46: {  	_ =	shalt  }
0x47: {  	_ =	shalt  }
0x48: {  	_ =	shalt  }
0x49: {  	_ =	shalt  }
0x4a: {  	_ =	shalt  }
0x4b: {  	_ =	shalt  }
0x4c: {  	_ =	shalt  }
0x4d: {  	_ =	shalt  }
0x4e: {  	_ =	shalt  }
0x4f: {  	_ =	shalt  }
0x50: {  	_ =	shalt  }
0x51: {  	_ =	shalt  }
0x52: {  	_ =	shalt  }
0x53: {  	_ =	shalt  }
0x54: {  	_ =	shalt  }
0x55: {  	_ =	shalt  }
0x56: {  	_ =	shalt  }
0x57: {  	_ =	shalt  }
0x58: {  	_ =	shalt  }
0x59: {  	_ =	shalt  }
0x5a: {  	_ =	shalt  }
0x5b: {  	_ =	shalt  }
0x5c: {  	_ =	shalt  }
0x5d: {  	_ =	shalt  }
0x5e: {  	_ =	shalt  }
0x5f: {  	_ =	shalt  }
0x60: {  	_ =	shalt  }
0x61: {  	_ =	shalt  }
0x62: {  	_ =	shalt  }
0x63: {  	_ =	shalt  }
0x64: {  	_ =	shalt  }
0x65: {  	_ =	shalt  }
0x66: {  	_ =	shalt  }
0x67: {  	_ =	shalt  }
0x68: {  	_ =	shalt  }
0x69: {  	_ =	shalt  }
0x6a: {  	_ =	shalt  }
0x6b: {  	_ =	shalt  }
0x6c: {  	_ =	shalt  }
0x6d: {  	_ =	shalt  }
0x6e: {  	_ =	shalt  }
0x6f: {  	_ =	shalt  }
0x70: {  	_ =	shalt  }
0x71: {  	_ =	shalt  }
0x72: {  	_ =	shalt  }
0x73: {  	_ =	shalt  }
0x74: {  	_ =	shalt  }
0x75: {  	_ =	shalt  }
0x76: {  	_ =	shalt  }
0x77: {  	_ =	shalt  }
0x78: {  	_ =	shalt  }
0x79: {  	_ =	shalt  }
0x7a: {  	_ =	shalt  }
0x7b: {  	_ =	shalt  }
0x7c: {  	_ =	shalt  }
0x7d: {  	_ =	shalt  }
0x7e: {  	_ =	shalt  }
0x7f: {  	_ =	shalt  }
0x80: {  	_ =	shalt  }
0x81: {  	_ =	shalt  }
0x82: {  	_ =	shalt  }
0x83: {  	_ =	shalt  }
0x84: {  	_ =	shalt  }
0x85: {  	_ =	shalt  }
0x86: {  	_ =	shalt  }
0x87: {  	_ =	shalt  }
.Lfunc_end0:
.L_simem_size_0:
called_computation_lowered:
.L_overlay_start_0:
0x88: {  	s2 =	sld [smem:$0x3FD9]  }
0x89: {  	s3 =	sld [smem:$0x3FFE];
	_ =	sdelay $0x1  }
0x8a: {  	s1 =	srdreg.scid  }
0x8b: {  	s0 =	sand.u32 $0x1, s1  }
0x8c: {  	s18 =	sshll.u32 s0, $0xA;
	s2 =	sadd.s32 s3, s2  }
0x8d: {  	s2 =	sadd.s32 s2, s18  }
0x8e: {  	[smem:$0x3FC6] =	sst s2  }
0x8f: {  	_ = 	snop  }
0x90: {  	s2 =	sld [smem:$0x3FC9]  }
0x91: {  	s19 =	sld [smem:$0x3FC8]  }
0x92: {  	s4 =	sld [smem:$0x3FD0];
	(tm) =	ssettm $0x1  }
0x93: {  	s5 =	sld [smem:$0x3FFB];
	_ =	sdelay $0x3  }
0x94: {  	_ =	strace s5  }
0x95: {  	s5 =	sld [smem:$0x3FFC];
	_ =	sdelay $0x3  }
0x96: {  	_ =	strace s5  }
0x97: {  	s5 =	sld [smem:$0x3FFD];
	_ =	sdelay $0x3  }
0x98: {  	_ =	strace s5  }
0x99: {  	_ =	strace $0x8FFFFFFF  }
0x9a: {  	s20 =	sld [smem:$0x3FDB];
	_ =	sdelay $0x1  }
0x9b: {  	s6 =	simm.s32 $_scs_section_size  }
0x9c: {  	s7 =	simm.s32 $_size__tile_overlayer_lowered;
	s8 =	simm.s32 $_tile_overlayer_lowered  }
0x9d: {  	s23 =	simm.s32 $0x1BFF;
	s22 =	sshll.u32 s8, $0x1;
	s5 =	sadd.s32 s6, s20  }
0x9e: {  	s9 =	simm.s32 $0x0;
	s21 =	sshll.u32 s7, $0x1;
	s7 =	sadd.s32 s22, s5  }
0x9f: {  	[timem:s9], [sflag:s23] =	dma.local [hbm:s7], s21  }
0xa0: {  	_ =	swait.ge [sflag:s23], s21  }
0xa1: {  	s6 =	ssub.s32 $0x0, s21;
	[sflag:s23] =	ssyncset.done $0x0  }
0xa2: {  	[sflag:s23] =	ssyncadd.s32 s6;
	_ =	sdelay $0x1  }
0xa3: {  	s24 =	simm.s32 $0x1B8B  }
0xa4: {  	_ =	swait.ge [sflag:s24], $0x1  }
0xa5: {  	[sflag:s24] =	ssyncset.done $0x0  }
0xa6: {  	s25 =	simm.s32 $0x1B8E;
	[sflag:s24] =	ssyncadd.s32 $0xFFFFFFFF  }
0xa7: {  	s26 =	simm.s32 $execute0_lowered;
	[smem:$0x3FD2] =	sst s25  }
0xa8: {  	s6 =	sshll.u32 s26, $0x1;
	_ =	strace $0x80000046;
	[dreg:$0x1] =	wrdreg $0xFFFFFFFF  }
0xa9: {  	s28 =	simm.s32 $_size_execute0_lowered;
	s5 =	sadd.s32 s5, s6;
	[dreg:$0x0] =	wrdreg $0x0  }
0xaa: {  	s6 =	sshll.u32 s28, $0x1;
	[dreg:$0x2] =	wrdreg s5  }
0xab: {  	[dreg:$0x3] =	wrdreg s6  }
0xac: {  	[dreg:$0x4] =	wrdreg $0xC0  }
0xad: {  	_ =	task [dreg:s9], $0x5FFFF  }
0xae: {  	[dreg:$0x1] =	wrdreg $0xFFFFFFFF  }
0xaf: {  	[dreg:$0x0] =	wrdreg $0x60  }
0xb0: {  	[dreg:$0x2] =	wrdreg s2  }
0xb1: {  	[dreg:$0x3] =	wrdreg s19  }
0xb2: {  	[dreg:$0x4] =	wrdreg s4  }
0xb3: {  	[dreg:$0x5] =	wrdreg $0x9  }
0xb4: {  	_ =	task.clear_ibuf [dreg:s9], $0x6FFFF;
	_ =	strace $0x90000046  }
0xb5: {  	s29 =	simm.s32 $0x9;
	_ =	strace $0x80000048  }
0xb6: {  	_ =	swait.ge [sflag:s29], $0x1  }
0xb7: {  	[sflag:s29] =	ssyncadd.s32 $0xFFFFFFFF  }
0xb8: {  	_ =	strace $0x90000048  }
0xb9: {  	_ =	sfence  }
0xba: {  	s30 =	sld [smem:$0x0];
	_ =	sdelay $0x2  }
0xbb: {  	s31 =	sshll.u32 s1, $0xD;
	s1 =	sshrl.u32 s1, $0x2  }
0xbc: {  	s3 =	sand.u32 $0x4000, s31;
	s1 =	sadd.s32 s1, s30  }
0xbd: {  	s0 =	sor.u32 s3, s0;
	s1 =	sshll.u32 s1, $0x11  }
0xbe: {  	s0 =	sor.u32 s1, s0  }
0xbf: {  	s0 =	sadd.s32 $0x8F2B, s0  }
0xc0: {  	[sflag:s0] =	ssyncadd.remote.s32 $0x1  }
0xc1: {  	_ =	sfence.sel $0xFFFF  }
0xc2: {  	[dreg:$0x0] =	wrdreg $0xFFFFFFFF;
	(pc) =	sbr.abs _section_cstart, $3  }
0xc3: {  	[dreg:$0x1] =	wrdreg $0xFFFFFFFF  }
0xc4: {  	_ =	task.clear_ibuf [dreg:s9], $0x2FFFF;
	_ =	strace $0x9FFFFFFF  }
0xc5: {  	(tm) =	ssettm $0x7FFFFFFF  }
tec
execute0_lowered:
.L_overlay_start_1:
0x0: {  	(tag) =	ssettag $0x1  }
0x1: {  	s0 =	srdreg.scid;
	s1 =	rddreg [dreg:$0x0]  }
0x2: {  	s8 =	stileid.u32;
	s2 =	rddreg [dreg:$0x1]  }
0x3: {  	s5 =	rddreg [dreg:$0x2];
	s9 =	simm.s32 $0x400;
	s21 =	simm.s32 $0x6400  }
0x4: {  	s22 =	simm.s32 $0x6C00;
	s23 =	simm.s32 $0x7400;
	s28 =	simm.s32 $0x8400  }
0x5: {  	s29 =	simm.s32 $0x8C00;
	s30 =	simm.s32 $0x9400;
	s31 =	simm.s32 $0x9C00  }
0x6: {  	s10 =	simm.s32 $0xD400;
	s11 =	simm.s32 $0xDC00;
	s12 =	simm.s32 $0xE400  }
0x7: {  	s13 =	simm.s32 $0xEC00;
	s14 =	simm.s32 $0xF400;
	s15 =	simm.s32 $0xFC00  }
0x8: {  	s16 =	simm.s32 $0x2;
	s18 =	simm.s32 $0x0;
	s0 =	sand.u32 $0x1, s0  }
0x9: {  	s3 =	sshll.u32 s8, $0x8;
	s6 =	sshll.u32 s8, $0xB;
	s25 =	sshll.u32 s8, $0x10  }
0xa: {  	s8 =	simm.s32 $0x1;
	s4 =	sshll.u32 s0, $0x7;
	s24 =	ssub.s32 $0x2, s0  }
0xb: {  	s0 =	sshll.u32 s0, $0xF;
	s4 =	sor.u32 s4, s3;
	s3 =	simm.s32 $0x0  }
0xc: {  	s7 =	sshrl.u32 s24, $0x1;
	s4 =	sor.u32 s4, s6;
	[smem:$0x7FF] =	sst s3  }
0xd: {  	s6 =	ssub.s32 s24, s7;
	s24 =	simm.s32 $0x7C00;
	s4 =	sand.u32 $0x6380, s4  }
0xe: {  	_ =	strace $0x80000047;
	s26 =	smax.u32 s6, $0x1;
	s6 =	simm.s32 $0xC400  }
.Ltmp0:
0xf: {  	s4 =	sshrl.u32 s4, $0x3;
	[dreg:$0x6] =	wrdreg s26;
	(pc) =	sbr.rel .LBB2_1-.Ltmp0, $4  }
0x10: {  	s26 =	simm.s32 $0x3;
	s4 =	sadd.s32 s1, s4;
	s1 =	sadd.s32 s25, s5  }
0x11: {  	v2 =	vlaneseq.u32;
	s25 =	simm.s32 $0xB400;
	s5 =	simm.s32 $0xBC00;
	[dreg:$0x4] =	wrdreg s4  }
0x12: {  	vm0 =	vmmov $0xffff;
	v1 =	vshrl.u32 v2, $0x3;
	s4 =	sadd.s32 $0x80, s4;
	s7 =	sadd.s32 s0, s1;
	s1 =	simm.s32 $0xA400  }
0x13: {  	v0 =	vand.u32 $0x7, v2;
	v2 =	vor.u32 $0x8, v2;
	v1 =	vmul.u32 $0x8, v1;
	s0 =	simm.s32 $0xAC00;
	[dreg:$0x5] =	wrdreg s4;
	s4 =	simm.s32 $0xCC00  }
.LBB2_5:
0x14: {  	s18 =	rddreg [dreg:$0x7]  }
0x15: {  	s17 =	rddreg [dreg:$0x6];
	s18 =	sadd.s32 $0x1, s18  }
0x16: {  	p0 =	sne.s32 s18, s17  }
.Ltmp1:
0x17: {  	_ = 	snop;
	(pc) =	sbr.rel @!p0 .LBB2_6-.Ltmp1, $1  }
0x18: {  	_ =	sdelay $0x3  }
.LBB2_1:
0x19: {  	[dreg:$0x7] =	wrdreg s18  }
0x1a: {  	s17 =	rddreg [dreg:$0x4]  }
0x1b: {  	[tilespmem:s3], [sflag:$0x1] =	stream.linear.gather [hbm4b:s17+s3], $0x80, $0x38;
	[tilespmem:$0x10400] =	vst v63  }
0x1c: {  	_ =	swait.ge [sflag:s8], $0x80  }
0x1d: {  	[sflag:s8] =	ssyncset.done $0x0  }
0x1e: {  	[sflag:s8] =	ssyncadd.s32 $0xFFFFFF80  }
0x1f: {  	v3 =	vld [tilespmem:$0x0];
	_ =	sdelay $0x4  }
0x20: {  	v4 =	vshll.u32 v3, $0x1  }
0x21: {  	v3 =	vand.u32 $0x7, v3;
	v4 =	vand.u32 $0xFFFFFFF0, v4  }
0x22: {  	v3 =	vor.u32 v3, v4  }
0x23: {  	v4 =	vperm.xlane v3, v0;
	_ =	sdelay $0x1  }
0x24: {  	v3 =	vperm.xlane v3, v2;
	v4 =	vadd.s32 v1, v4;
	_ =	sdelay $0x1  }
0x25: {  	v3 =	vadd.s32 v1, v3;
	_ =	sdelay $0x2  }
0x26: {  	[tilespmem:s9], [sflag:$0x1] =	stream.indirect_vreg.gather [hbm4b:s2+s3], $0x80, v4, vm0, $0xb8;
	[tilespmem:$0x10400] =	vst v63  }
0x27: {  	s20 =	simm.s32 $0xC00  }
0x28: {  	[tilespmem:s20], [sflag:$0x1] =	stream.indirect_vreg.gather [hbm4b:s2+s3], $0x80, v3, vm0, $0xb8;
	[tilespmem:$0x10400] =	vst v63  }
0x29: {  	v3 =	vld [tilespmem:$0x10];
	_ =	sdelay $0x4  }
0x2a: {  	v57 =	vshll.u32 v3, $0x1  }
0x2b: {  	v3 =	vand.u32 $0x7, v3;
	v4 =	vand.u32 $0xFFFFFFF0, v57  }
0x2c: {  	v3 =	vor.u32 v3, v4  }
0x2d: {  	v4 =	vperm.xlane v3, v0;
	_ =	sdelay $0x1  }
0x2e: {  	v3 =	vperm.xlane v3, v2;
	v4 =	vadd.s32 v1, v4;
	_ =	sdelay $0x1  }
0x2f: {  	v3 =	vadd.s32 v1, v3;
	_ =	sdelay $0x1  }
0x30: {  	s18 =	simm.s32 $0x1400  }
0x31: {  	[tilespmem:s18], [sflag:$0x1] =	stream.indirect_vreg.gather [hbm4b:s2+s3], $0x80, v4, vm0, $0xb8;
	[tilespmem:$0x10400] =	vst v63  }
0x32: {  	s19 =	simm.s32 $0x1C00  }
0x33: {  	[tilespmem:s19], [sflag:$0x1] =	stream.indirect_vreg.gather [hbm4b:s2+s3], $0x80, v3, vm0, $0xb8;
	[tilespmem:$0x10400] =	vst v63  }
0x34: {  	v3 =	vld [tilespmem:$0x20];
	_ =	sdelay $0x4  }
0x35: {  	v58 =	vshll.u32 v3, $0x1  }
0x36: {  	v3 =	vand.u32 $0x7, v3;
	v4 =	vand.u32 $0xFFFFFFF0, v58  }
0x37: {  	v3 =	vor.u32 v3, v4  }
0x38: {  	v4 =	vperm.xlane v3, v0;
	_ =	sdelay $0x1  }
0x39: {  	v3 =	vperm.xlane v3, v2;
	v4 =	vadd.s32 v1, v4;
	_ =	sdelay $0x1  }
0x3a: {  	v3 =	vadd.s32 v1, v3;
	_ =	sdelay $0x1  }
0x3b: {  	s20 =	simm.s32 $0x2400  }
0x3c: {  	[tilespmem:s20], [sflag:$0x1] =	stream.indirect_vreg.gather [hbm4b:s2+s3], $0x80, v4, vm0, $0xb8;
	[tilespmem:$0x10400] =	vst v63  }
0x3d: {  	s18 =	simm.s32 $0x2C00  }
0x3e: {  	[tilespmem:s18], [sflag:$0x1] =	stream.indirect_vreg.gather [hbm4b:s2+s3], $0x80, v3, vm0, $0xb8;
	[tilespmem:$0x10400] =	vst v63  }
0x3f: {  	v3 =	vld [tilespmem:$0x30];
	_ =	sdelay $0x4  }
0x40: {  	v59 =	vshll.u32 v3, $0x1  }
0x41: {  	v3 =	vand.u32 $0x7, v3;
	v4 =	vand.u32 $0xFFFFFFF0, v59  }
0x42: {  	v3 =	vor.u32 v3, v4  }
0x43: {  	v4 =	vperm.xlane v3, v0;
	_ =	sdelay $0x1  }
0x44: {  	v3 =	vperm.xlane v3, v2;
	v4 =	vadd.s32 v1, v4;
	_ =	sdelay $0x1  }
0x45: {  	v3 =	vadd.s32 v1, v3;
	_ =	sdelay $0x1  }
0x46: {  	s19 =	simm.s32 $0x3400  }
0x47: {  	[tilespmem:s19], [sflag:$0x1] =	stream.indirect_vreg.gather [hbm4b:s2+s3], $0x80, v4, vm0, $0xb8;
	[tilespmem:$0x10400] =	vst v63  }
0x48: {  	s20 =	simm.s32 $0x3C00  }
0x49: {  	[tilespmem:s20], [sflag:$0x1] =	stream.indirect_vreg.gather [hbm4b:s2+s3], $0x80, v3, vm0, $0xb8;
	[tilespmem:$0x10400] =	vst v63  }
0x4a: {  	v3 =	vld [tilespmem:$0x40];
	_ =	sdelay $0x4  }
0x4b: {  	v60 =	vshll.u32 v3, $0x1  }
0x4c: {  	v3 =	vand.u32 $0x7, v3;
	v4 =	vand.u32 $0xFFFFFFF0, v60  }
0x4d: {  	v3 =	vor.u32 v3, v4  }
0x4e: {  	v4 =	vperm.xlane v3, v0;
	_ =	sdelay $0x1  }
0x4f: {  	v3 =	vperm.xlane v3, v2;
	v4 =	vadd.s32 v1, v4;
	_ =	sdelay $0x1  }
0x50: {  	v3 =	vadd.s32 v1, v3;
	_ =	sdelay $0x1  }
0x51: {  	s18 =	simm.s32 $0x4400  }
0x52: {  	[tilespmem:s18], [sflag:$0x1] =	stream.indirect_vreg.gather [hbm4b:s2+s3], $0x80, v4, vm0, $0xb8;
	[tilespmem:$0x10400] =	vst v63  }
0x53: {  	s19 =	simm.s32 $0x4C00  }
0x54: {  	[tilespmem:s19], [sflag:$0x1] =	stream.indirect_vreg.gather [hbm4b:s2+s3], $0x80, v3, vm0, $0xb8;
	[tilespmem:$0x10400] =	vst v63  }
0x55: {  	v3 =	vld [tilespmem:$0x50];
	_ =	sdelay $0x4  }
0x56: {  	v61 =	vshll.u32 v3, $0x1  }
0x57: {  	v3 =	vand.u32 $0x7, v3;
	v4 =	vand.u32 $0xFFFFFFF0, v61  }
0x58: {  	v3 =	vor.u32 v3, v4  }
0x59: {  	v4 =	vperm.xlane v3, v0;
	_ =	sdelay $0x1  }
0x5a: {  	v3 =	vperm.xlane v3, v2;
	v4 =	vadd.s32 v1, v4;
	_ =	sdelay $0x1  }
0x5b: {  	v3 =	vadd.s32 v1, v3;
	_ =	sdelay $0x1  }
0x5c: {  	s20 =	simm.s32 $0x5400  }
0x5d: {  	[tilespmem:s20], [sflag:$0x1] =	stream.indirect_vreg.gather [hbm4b:s2+s3], $0x80, v4, vm0, $0xb8;
	[tilespmem:$0x10400] =	vst v63  }
0x5e: {  	s18 =	simm.s32 $0x5C00  }
0x5f: {  	[tilespmem:s18], [sflag:$0x1] =	stream.indirect_vreg.gather [hbm4b:s2+s3], $0x80, v3, vm0, $0xb8;
	[tilespmem:$0x10400] =	vst v63  }
0x60: {  	v3 =	vld [tilespmem:$0x60];
	_ =	sdelay $0x4  }
0x61: {  	v62 =	vshll.u32 v3, $0x1  }
0x62: {  	v3 =	vand.u32 $0x7, v3;
	v4 =	vand.u32 $0xFFFFFFF0, v62  }
0x63: {  	v3 =	vor.u32 v3, v4  }
0x64: {  	v4 =	vperm.xlane v3, v0;
	_ =	sdelay $0x1  }
0x65: {  	v3 =	vperm.xlane v3, v2;
	v4 =	vadd.s32 v1, v4;
	_ =	sdelay $0x1  }
0x66: {  	v3 =	vadd.s32 v1, v3;
	_ =	sdelay $0x2  }
0x67: {  	[tilespmem:s21], [sflag:$0x1] =	stream.indirect_vreg.gather [hbm4b:s2+s3], $0x80, v4, vm0, $0xb8;
	[tilespmem:$0x10400] =	vst v63  }
0x68: {  	_ = 	snop  }
0x69: {  	[tilespmem:s22], [sflag:$0x1] =	stream.indirect_vreg.gather [hbm4b:s2+s3], $0x80, v3, vm0, $0xb8;
	[tilespmem:$0x10400] =	vst v63  }
0x6a: {  	v3 =	vld [tilespmem:$0x70];
	_ =	sdelay $0x4  }
0x6b: {  	v63 =	vshll.u32 v3, $0x1  }
0x6c: {  	v3 =	vand.u32 $0x7, v3;
	v4 =	vand.u32 $0xFFFFFFF0, v63  }
0x6d: {  	v3 =	vor.u32 v3, v4  }
0x6e: {  	v4 =	vperm.xlane v3, v0;
	_ =	sdelay $0x1  }
0x6f: {  	v3 =	vperm.xlane v3, v2;
	v4 =	vadd.s32 v1, v4;
	_ =	sdelay $0x1  }
0x70: {  	v3 =	vadd.s32 v1, v3;
	_ =	sdelay $0x2  }
0x71: {  	[tilespmem:s23], [sflag:$0x1] =	stream.indirect_vreg.gather [hbm4b:s2+s3], $0x80, v4, vm0, $0xb8;
	[tilespmem:$0x10400] =	vst v63  }
0x72: {  	_ = 	snop  }
0x73: {  	[tilespmem:s24], [sflag:$0x1] =	stream.indirect_vreg.gather [hbm4b:s2+s3], $0x80, v3, vm0, $0xb8;
	[tilespmem:$0x10400] =	vst v63  }
.Ltmp2:
0x74: {  	s19 =	rddreg [dreg:$0x5];
	s20 =	simm.s32 $0x80;
	(pc) =	sbr.rel .LBB2_2-.Ltmp2, $4  }
0x75: {  	[tilespmem:s20], [sflag:$0x3] =	stream.strided.gather [hbm4b:s19+s20], $0x380, s9, s20, $0x38;
	[tilespmem:$0x10400] =	vst v63  }
0x76: {  	_ =	swait.ge [sflag:s26], $0x380  }
0x77: {  	[sflag:s26] =	ssyncset.done $0x0  }
0x78: {  	s17 =	simm.s32 $0xC0;
	s18 =	simm.s32 $0x0;
	[sflag:s26] =	ssyncadd.s32 $0xFFFFFC80  }
.LBB2_4:
0x79: {  	_ =	swait.ge [sflag:s16], $0x8000;
	s18 =	sadd.s32 $0x2000, s18  }
0x7a: {  	[sflag:s16] =	ssyncset.done $0x0;
	p0 =	sne.s32 s18, $0x8000  }
.Ltmp3:
0x7b: {  	s19 =	sadd.s32 $0x1000, s19;
	[sflag:s16] =	ssyncadd.s32 $0xFFFF8000;
	(pc) =	sbr.rel @!p0 .LBB2_5-.Ltmp3, $4  }
0x7c: {  	[hbm4b:s19+s3] =	stream.linear.scatter [tilespmem:s28], [sflag:$0x3], $0x8000, $0x38;
	[tilespmem:$0x10400] =	vst v63  }
0x7d: {  	_ =	swait.ge [sflag:s26], $0x8000  }
0x7e: {  	[sflag:s26] =	ssyncset.done $0x0  }
0x7f: {  	s17 =	sadd.s32 $0x100, s17;
	[sflag:s26] =	ssyncadd.s32 $0xFFFF8000  }
.LBB2_2:
0x80: {  	v3 =	vld [tilespmem:s17+$0xFFFFFFC0];
	_ =	sdelay $0x4  }
0x81: {  	v4 =	vshll.u32 v3, $0x1  }
0x82: {  	v3 =	vand.u32 $0x7, v3;
	v4 =	vand.u32 $0xFFFFFFF0, v4  }
0x83: {  	v3 =	vor.u32 v3, v4  }
0x84: {  	v4 =	vperm.xlane v3, v0;
	_ =	sdelay $0x1  }
0x85: {  	v3 =	vperm.xlane v3, v2;
	v4 =	vadd.s32 v1, v4;
	_ =	sdelay $0x1  }
0x86: {  	v3 =	vadd.s32 v1, v3;
	_ =	sdelay $0x2  }
0x87: {  	[tilespmem:s28], [sflag:$0x2] =	stream.indirect_vreg.gather [hbm4b:s2+s3], $0x80, v4, vm0, $0xb8;
	[tilespmem:$0x10400] =	vst v63  }
0x88: {  	_ = 	snop  }
0x89: {  	[tilespmem:s29], [sflag:$0x2] =	stream.indirect_vreg.gather [hbm4b:s2+s3], $0x80, v3, vm0, $0xb8;
	[tilespmem:$0x10400] =	vst v63  }
0x8a: {  	v3 =	vld [tilespmem:s17+$0xFFFFFFD0];
	_ =	sdelay $0x4  }
0x8b: {  	v57 =	vshll.u32 v3, $0x1  }
0x8c: {  	v3 =	vand.u32 $0x7, v3;
	v4 =	vand.u32 $0xFFFFFFF0, v57  }
0x8d: {  	v3 =	vor.u32 v3, v4  }
0x8e: {  	v4 =	vperm.xlane v3, v0;
	_ =	sdelay $0x1  }
0x8f: {  	v3 =	vperm.xlane v3, v2;
	v4 =	vadd.s32 v1, v4;
	_ =	sdelay $0x1  }
0x90: {  	v3 =	vadd.s32 v1, v3;
	_ =	sdelay $0x2  }
0x91: {  	[tilespmem:s30], [sflag:$0x2] =	stream.indirect_vreg.gather [hbm4b:s2+s3], $0x80, v4, vm0, $0xb8;
	[tilespmem:$0x10400] =	vst v63  }
0x92: {  	_ = 	snop  }
0x93: {  	[tilespmem:s31], [sflag:$0x2] =	stream.indirect_vreg.gather [hbm4b:s2+s3], $0x80, v3, vm0, $0xb8;
	[tilespmem:$0x10400] =	vst v63  }
0x94: {  	v3 =	vld [tilespmem:s17+$0xFFFFFFE0];
	_ =	sdelay $0x4  }
0x95: {  	v58 =	vshll.u32 v3, $0x1  }
0x96: {  	v3 =	vand.u32 $0x7, v3;
	v4 =	vand.u32 $0xFFFFFFF0, v58  }
0x97: {  	v3 =	vor.u32 v3, v4  }
0x98: {  	v4 =	vperm.xlane v3, v0;
	_ =	sdelay $0x1  }
0x99: {  	v3 =	vperm.xlane v3, v2;
	v4 =	vadd.s32 v1, v4;
	_ =	sdelay $0x1  }
0x9a: {  	v3 =	vadd.s32 v1, v3;
	_ =	sdelay $0x2  }
0x9b: {  	[tilespmem:s1], [sflag:$0x2] =	stream.indirect_vreg.gather [hbm4b:s2+s3], $0x80, v4, vm0, $0xb8;
	[tilespmem:$0x10400] =	vst v63  }
0x9c: {  	_ = 	snop  }
0x9d: {  	[tilespmem:s0], [sflag:$0x2] =	stream.indirect_vreg.gather [hbm4b:s2+s3], $0x80, v3, vm0, $0xb8;
	[tilespmem:$0x10400] =	vst v63  }
0x9e: {  	v3 =	vld [tilespmem:s17+$0xFFFFFFF0];
	_ =	sdelay $0x4  }
0x9f: {  	v59 =	vshll.u32 v3, $0x1  }
0xa0: {  	v3 =	vand.u32 $0x7, v3;
	v4 =	vand.u32 $0xFFFFFFF0, v59  }
0xa1: {  	v3 =	vor.u32 v3, v4  }
0xa2: {  	v4 =	vperm.xlane v3, v0;
	_ =	sdelay $0x1  }
0xa3: {  	v3 =	vperm.xlane v3, v2;
	v4 =	vadd.s32 v1, v4;
	_ =	sdelay $0x1  }
0xa4: {  	v3 =	vadd.s32 v1, v3;
	_ =	sdelay $0x2  }
0xa5: {  	[tilespmem:s25], [sflag:$0x2] =	stream.indirect_vreg.gather [hbm4b:s2+s3], $0x80, v4, vm0, $0xb8;
	[tilespmem:$0x10400] =	vst v63  }
0xa6: {  	_ = 	snop  }
0xa7: {  	[tilespmem:s5], [sflag:$0x2] =	stream.indirect_vreg.gather [hbm4b:s2+s3], $0x80, v3, vm0, $0xb8;
	[tilespmem:$0x10400] =	vst v63  }
0xa8: {  	v3 =	vld [tilespmem:s17+$0x0];
	_ =	sdelay $0x4  }
0xa9: {  	v60 =	vshll.u32 v3, $0x1  }
0xaa: {  	v3 =	vand.u32 $0x7, v3;
	v4 =	vand.u32 $0xFFFFFFF0, v60  }
0xab: {  	v3 =	vor.u32 v3, v4  }
0xac: {  	v4 =	vperm.xlane v3, v0;
	_ =	sdelay $0x1  }
0xad: {  	v3 =	vperm.xlane v3, v2;
	v4 =	vadd.s32 v1, v4;
	_ =	sdelay $0x1  }
0xae: {  	v3 =	vadd.s32 v1, v3;
	_ =	sdelay $0x2  }
0xaf: {  	[tilespmem:s6], [sflag:$0x2] =	stream.indirect_vreg.gather [hbm4b:s2+s3], $0x80, v4, vm0, $0xb8;
	[tilespmem:$0x10400] =	vst v63  }
0xb0: {  	_ = 	snop  }
0xb1: {  	[tilespmem:s4], [sflag:$0x2] =	stream.indirect_vreg.gather [hbm4b:s2+s3], $0x80, v3, vm0, $0xb8;
	[tilespmem:$0x10400] =	vst v63  }
0xb2: {  	v3 =	vld [tilespmem:s17+$0x10];
	_ =	sdelay $0x4  }
0xb3: {  	v61 =	vshll.u32 v3, $0x1  }
0xb4: {  	v3 =	vand.u32 $0x7, v3;
	v4 =	vand.u32 $0xFFFFFFF0, v61  }
0xb5: {  	v3 =	vor.u32 v3, v4  }
0xb6: {  	v4 =	vperm.xlane v3, v0;
	_ =	sdelay $0x1  }
0xb7: {  	v3 =	vperm.xlane v3, v2;
	v4 =	vadd.s32 v1, v4;
	_ =	sdelay $0x1  }
0xb8: {  	v3 =	vadd.s32 v1, v3;
	_ =	sdelay $0x2  }
0xb9: {  	[tilespmem:s10], [sflag:$0x2] =	stream.indirect_vreg.gather [hbm4b:s2+s3], $0x80, v4, vm0, $0xb8;
	[tilespmem:$0x10400] =	vst v63  }
0xba: {  	_ = 	snop  }
0xbb: {  	[tilespmem:s11], [sflag:$0x2] =	stream.indirect_vreg.gather [hbm4b:s2+s3], $0x80, v3, vm0, $0xb8;
	[tilespmem:$0x10400] =	vst v63  }
0xbc: {  	v3 =	vld [tilespmem:s17+$0x20];
	_ =	sdelay $0x4  }
0xbd: {  	v62 =	vshll.u32 v3, $0x1  }
0xbe: {  	v3 =	vand.u32 $0x7, v3;
	v4 =	vand.u32 $0xFFFFFFF0, v62  }
0xbf: {  	v3 =	vor.u32 v3, v4  }
0xc0: {  	v4 =	vperm.xlane v3, v0;
	_ =	sdelay $0x1  }
0xc1: {  	v3 =	vperm.xlane v3, v2;
	v4 =	vadd.s32 v1, v4;
	_ =	sdelay $0x1  }
0xc2: {  	v3 =	vadd.s32 v1, v3;
	_ =	sdelay $0x2  }
0xc3: {  	[tilespmem:s12], [sflag:$0x2] =	stream.indirect_vreg.gather [hbm4b:s2+s3], $0x80, v4, vm0, $0xb8;
	[tilespmem:$0x10400] =	vst v63  }
0xc4: {  	_ = 	snop  }
0xc5: {  	[tilespmem:s13], [sflag:$0x2] =	stream.indirect_vreg.gather [hbm4b:s2+s3], $0x80, v3, vm0, $0xb8;
	[tilespmem:$0x10400] =	vst v63  }
0xc6: {  	v3 =	vld [tilespmem:s17+$0x30];
	_ =	sdelay $0x4  }
0xc7: {  	v63 =	vshll.u32 v3, $0x1  }
0xc8: {  	v3 =	vand.u32 $0x7, v3;
	v4 =	vand.u32 $0xFFFFFFF0, v63  }
0xc9: {  	v3 =	vor.u32 v3, v4  }
0xca: {  	v4 =	vperm.xlane v3, v0;
	_ =	sdelay $0x1  }
0xcb: {  	v3 =	vperm.xlane v3, v2;
	v4 =	vadd.s32 v1, v4;
	_ =	sdelay $0x1  }
0xcc: {  	v3 =	vadd.s32 v1, v3;
	_ =	sdelay $0x2  }
0xcd: {  	[tilespmem:s14], [sflag:$0x2] =	stream.indirect_vreg.gather [hbm4b:s2+s3], $0x80, v4, vm0, $0xb8;
	[tilespmem:$0x10400] =	vst v63  }
0xce: {  	_ = 	snop  }
0xcf: {  	[tilespmem:s15], [sflag:$0x2] =	stream.indirect_vreg.gather [hbm4b:s2+s3], $0x80, v3, vm0, $0xb8;
	[tilespmem:$0x10400] =	vst v63  }
0xd0: {  	_ =	swait.ge [sflag:s8], $0x8000  }
0xd1: {  	p0 =	seq.s32 s18, $0x6000;
	[sflag:s8] =	ssyncset.done $0x0  }
.Ltmp4:
0xd2: {  	s19 =	sadd.s32 s18, s7;
	[sflag:s8] =	ssyncadd.s32 $0xFFFF8000;
	(pc) =	sbr.rel @p0 .LBB2_4-.Ltmp4, $4  }
0xd3: {  	[hbm4b:s19+s3] =	stream.linear.scatter [tilespmem:s9], [sflag:$0x3], $0x8000, $0x38;
	[tilespmem:$0x10400] =	vst v63  }
0xd4: {  	_ =	swait.ge [sflag:s26], $0x8000  }
0xd5: {  	[sflag:s26] =	ssyncset.done $0x0  }
0xd6: {  	[sflag:s26] =	ssyncadd.s32 $0xFFFF8000  }
0xd7: {  	v3 =	vld [tilespmem:s17+$0x40];
	_ =	sdelay $0x4  }
0xd8: {  	v4 =	vshll.u32 v3, $0x1  }
0xd9: {  	v3 =	vand.u32 $0x7, v3;
	v4 =	vand.u32 $0xFFFFFFF0, v4  }
0xda: {  	v3 =	vor.u32 v3, v4  }
0xdb: {  	v4 =	vperm.xlane v3, v0;
	_ =	sdelay $0x1  }
0xdc: {  	v3 =	vperm.xlane v3, v2;
	v4 =	vadd.s32 v1, v4;
	_ =	sdelay $0x1  }
0xdd: {  	v3 =	vadd.s32 v1, v3;
	_ =	sdelay $0x2  }
0xde: {  	[tilespmem:s9], [sflag:$0x1] =	stream.indirect_vreg.gather [hbm4b:s2+s3], $0x80, v4, vm0, $0xb8;
	[tilespmem:$0x10400] =	vst v63  }
0xdf: {  	s20 =	simm.s32 $0xC00  }
0xe0: {  	[tilespmem:s20], [sflag:$0x1] =	stream.indirect_vreg.gather [hbm4b:s2+s3], $0x80, v3, vm0, $0xb8;
	[tilespmem:$0x10400] =	vst v63  }
0xe1: {  	v3 =	vld [tilespmem:s17+$0x50];
	_ =	sdelay $0x4  }
0xe2: {  	v57 =	vshll.u32 v3, $0x1  }
0xe3: {  	v3 =	vand.u32 $0x7, v3;
	v4 =	vand.u32 $0xFFFFFFF0, v57  }
0xe4: {  	v3 =	vor.u32 v3, v4  }
0xe5: {  	v4 =	vperm.xlane v3, v0;
	_ =	sdelay $0x1  }
0xe6: {  	v3 =	vperm.xlane v3, v2;
	v4 =	vadd.s32 v1, v4;
	_ =	sdelay $0x1  }
0xe7: {  	v3 =	vadd.s32 v1, v3;
	_ =	sdelay $0x1  }
0xe8: {  	s20 =	simm.s32 $0x1400  }
0xe9: {  	[tilespmem:s20], [sflag:$0x1] =	stream.indirect_vreg.gather [hbm4b:s2+s3], $0x80, v4, vm0, $0xb8;
	[tilespmem:$0x10400] =	vst v63  }
0xea: {  	s20 =	simm.s32 $0x1C00  }
0xeb: {  	[tilespmem:s20], [sflag:$0x1] =	stream.indirect_vreg.gather [hbm4b:s2+s3], $0x80, v3, vm0, $0xb8;
	[tilespmem:$0x10400] =	vst v63  }
0xec: {  	v3 =	vld [tilespmem:s17+$0x60];
	_ =	sdelay $0x4  }
0xed: {  	v58 =	vshll.u32 v3, $0x1  }
0xee: {  	v3 =	vand.u32 $0x7, v3;
	v4 =	vand.u32 $0xFFFFFFF0, v58  }
0xef: {  	v3 =	vor.u32 v3, v4  }
0xf0: {  	v4 =	vperm.xlane v3, v0;
	_ =	sdelay $0x1  }
0xf1: {  	v3 =	vperm.xlane v3, v2;
	v4 =	vadd.s32 v1, v4;
	_ =	sdelay $0x1  }
0xf2: {  	v3 =	vadd.s32 v1, v3;
	_ =	sdelay $0x1  }
0xf3: {  	s20 =	simm.s32 $0x2400  }
0xf4: {  	[tilespmem:s20], [sflag:$0x1] =	stream.indirect_vreg.gather [hbm4b:s2+s3], $0x80, v4, vm0, $0xb8;
	[tilespmem:$0x10400] =	vst v63  }
0xf5: {  	s20 =	simm.s32 $0x2C00  }
0xf6: {  	[tilespmem:s20], [sflag:$0x1] =	stream.indirect_vreg.gather [hbm4b:s2+s3], $0x80, v3, vm0, $0xb8;
	[tilespmem:$0x10400] =	vst v63  }
0xf7: {  	v3 =	vld [tilespmem:s17+$0x70];
	_ =	sdelay $0x4  }
0xf8: {  	v59 =	vshll.u32 v3, $0x1  }
0xf9: {  	v3 =	vand.u32 $0x7, v3;
	v4 =	vand.u32 $0xFFFFFFF0, v59  }
0xfa: {  	v3 =	vor.u32 v3, v4  }
0xfb: {  	v4 =	vperm.xlane v3, v0;
	_ =	sdelay $0x1  }
0xfc: {  	v3 =	vperm.xlane v3, v2;
	v4 =	vadd.s32 v1, v4;
	_ =	sdelay $0x1  }
0xfd: {  	v3 =	vadd.s32 v1, v3;
	_ =	sdelay $0x1  }
0xfe: {  	s20 =	simm.s32 $0x3400  }
0xff: {  	[tilespmem:s20], [sflag:$0x1] =	stream.indirect_vreg.gather [hbm4b:s2+s3], $0x80, v4, vm0, $0xb8;
	[tilespmem:$0x10400] =	vst v63  }
0x100: {  	s20 =	simm.s32 $0x3C00  }
0x101: {  	[tilespmem:s20], [sflag:$0x1] =	stream.indirect_vreg.gather [hbm4b:s2+s3], $0x80, v3, vm0, $0xb8;
	[tilespmem:$0x10400] =	vst v63  }
0x102: {  	v3 =	vld [tilespmem:s17+$0x80];
	_ =	sdelay $0x4  }
0x103: {  	v60 =	vshll.u32 v3, $0x1  }
0x104: {  	v3 =	vand.u32 $0x7, v3;
	v4 =	vand.u32 $0xFFFFFFF0, v60  }
0x105: {  	v3 =	vor.u32 v3, v4  }
0x106: {  	v4 =	vperm.xlane v3, v0;
	_ =	sdelay $0x1  }
0x107: {  	v3 =	vperm.xlane v3, v2;
	v4 =	vadd.s32 v1, v4;
	_ =	sdelay $0x1  }
0x108: {  	v3 =	vadd.s32 v1, v3;
	_ =	sdelay $0x1  }
0x109: {  	s20 =	simm.s32 $0x4400  }
0x10a: {  	[tilespmem:s20], [sflag:$0x1] =	stream.indirect_vreg.gather [hbm4b:s2+s3], $0x80, v4, vm0, $0xb8;
	[tilespmem:$0x10400] =	vst v63  }
0x10b: {  	s20 =	simm.s32 $0x4C00  }
0x10c: {  	[tilespmem:s20], [sflag:$0x1] =	stream.indirect_vreg.gather [hbm4b:s2+s3], $0x80, v3, vm0, $0xb8;
	[tilespmem:$0x10400] =	vst v63  }
0x10d: {  	v3 =	vld [tilespmem:s17+$0x90];
	_ =	sdelay $0x4  }
0x10e: {  	v61 =	vshll.u32 v3, $0x1  }
0x10f: {  	v3 =	vand.u32 $0x7, v3;
	v4 =	vand.u32 $0xFFFFFFF0, v61  }
0x110: {  	v3 =	vor.u32 v3, v4  }
0x111: {  	v4 =	vperm.xlane v3, v0;
	_ =	sdelay $0x1  }
0x112: {  	v3 =	vperm.xlane v3, v2;
	v4 =	vadd.s32 v1, v4;
	_ =	sdelay $0x1  }
0x113: {  	v3 =	vadd.s32 v1, v3;
	_ =	sdelay $0x1  }
0x114: {  	s20 =	simm.s32 $0x5400  }
0x115: {  	[tilespmem:s20], [sflag:$0x1] =	stream.indirect_vreg.gather [hbm4b:s2+s3], $0x80, v4, vm0, $0xb8;
	[tilespmem:$0x10400] =	vst v63  }
0x116: {  	s20 =	simm.s32 $0x5C00  }
0x117: {  	[tilespmem:s20], [sflag:$0x1] =	stream.indirect_vreg.gather [hbm4b:s2+s3], $0x80, v3, vm0, $0xb8;
	[tilespmem:$0x10400] =	vst v63  }
0x118: {  	v3 =	vld [tilespmem:s17+$0xA0];
	_ =	sdelay $0x4  }
0x119: {  	v62 =	vshll.u32 v3, $0x1  }
0x11a: {  	v3 =	vand.u32 $0x7, v3;
	v4 =	vand.u32 $0xFFFFFFF0, v62  }
0x11b: {  	v3 =	vor.u32 v3, v4  }
0x11c: {  	v4 =	vperm.xlane v3, v0;
	_ =	sdelay $0x1  }
0x11d: {  	v3 =	vperm.xlane v3, v2;
	v4 =	vadd.s32 v1, v4;
	_ =	sdelay $0x1  }
0x11e: {  	v3 =	vadd.s32 v1, v3;
	_ =	sdelay $0x2  }
0x11f: {  	[tilespmem:s21], [sflag:$0x1] =	stream.indirect_vreg.gather [hbm4b:s2+s3], $0x80, v4, vm0, $0xb8;
	[tilespmem:$0x10400] =	vst v63  }
0x120: {  	_ = 	snop  }
0x121: {  	[tilespmem:s22], [sflag:$0x1] =	stream.indirect_vreg.gather [hbm4b:s2+s3], $0x80, v3, vm0, $0xb8;
	[tilespmem:$0x10400] =	vst v63  }
0x122: {  	v3 =	vld [tilespmem:s17+$0xB0];
	_ =	sdelay $0x4  }
0x123: {  	v63 =	vshll.u32 v3, $0x1  }
0x124: {  	v3 =	vand.u32 $0x7, v3;
	v4 =	vand.u32 $0xFFFFFFF0, v63  }
0x125: {  	v3 =	vor.u32 v3, v4  }
0x126: {  	v4 =	vperm.xlane v3, v0;
	_ =	sdelay $0x1  }
0x127: {  	v3 =	vperm.xlane v3, v2;
	v4 =	vadd.s32 v1, v4;
	_ =	sdelay $0x1  }
0x128: {  	v3 =	vadd.s32 v1, v3  }
.Ltmp5:
0x129: {  	_ = 	snop;
	(pc) =	sbr.rel .LBB2_4-.Ltmp5, $4  }
0x12a: {  	_ = 	snop  }
0x12b: {  	[tilespmem:s23], [sflag:$0x1] =	stream.indirect_vreg.gather [hbm4b:s2+s3], $0x80, v4, vm0, $0xb8;
	[tilespmem:$0x10400] =	vst v63  }
0x12c: {  	_ = 	snop  }
0x12d: {  	[tilespmem:s24], [sflag:$0x1] =	stream.indirect_vreg.gather [hbm4b:s2+s3], $0x80, v3, vm0, $0xb8;
	[tilespmem:$0x10400] =	vst v63  }
.LBB2_6:
0x12e: {  	_ =	sfence.sel $0x180000  }
0x12f: {  	[bflag:$0x0] =	sbarrier.arrive $0xFFFF  }
0x130: {  	_ =	strace $0x90000047  }
0x131: {  	s0 =	stileid.u32;
	[bflag:$0x2] =	sbarrier.arrive $0xFFFF  }
0x132: {  	p0 =	sne.s32 s0, $0x0;
	s0 =	rddreg [dreg:$0x3]  }
0x133: {  	s0 =	sadd.s32 @!p0 $0x100000, s0  }
0x134: {  	[sflag:s0] =	ssyncadd.tile.s32 @!p0 $0x1;
	_ =	shalt  }
.Lfunc_end2:
_tile_overlayer_lowered:
.L_overlay_start_2:
0x135: {  	(tag) =	ssettag $0x2  }
0x136: {  	s0 =	rddreg [dreg:$0x0];
	s2 =	stileid.u32  }
0x137: {  	s1 =	rddreg [dreg:$0x1];
	p0 =	sne.s32 s2, $0x0  }
0x138: {  	s3 =	rddreg [dreg:$0x2];
	[bflag:$0x3] =	sbarrier.arrive $0xFFFF;
	s2 =	simm.s32 @!p0 $0x1C03  }
0x139: {  	[timem:s3], [sflag:s2] =	dma.local @!p0 [hbm:s0], s1  }
0x13a: {  	s0 =	simm.s32 @!p0 $0x3  }
0x13b: {  	_ =	swait.ge @!p0 [sflag:s0], s1  }
0x13c: {  	s1 =	ssub.s32 @!p0 $0x0, s1;
	[sflag:s0] =	ssyncset.done @!p0 $0x0  }
0x13d: {  	[sflag:s0] =	ssyncadd.s32 @!p0 s1  }
0x13e: {  	[bflag:$0x3] =	sbarrier.arrive $0xFFFF  }
0x13f: {  	_ =	shalt  }

</sc_bundles>
